<compile_context>
chip_gen: v7x
topology: tpu7x:2x2x1
jax: 0.10.2.dev20260603
libtpu: 0.0.44.dev20260713+nightly
codegen_flags: <defaults>
</compile_context>

<pallas_src>
import functools

import jax
import jax.numpy as jnp
import numpy as np
from jax import lax
from jax.experimental import pallas as pl
from jax.experimental.pallas import tpu as pltpu
from jax.experimental.pallas import tpu_sc as plsc

F0_MIN = 32.70319566257483
F0_MAX = 2093.004522404789
N_BINS = 256
EMBED_DIM = 64

NC = 2
NS = 16
L = 16
NW = NC * NS

LUT_SIZE = 16384
BINS_PAD = 272


def _build_lut() -> np.ndarray:
    bins64 = np.exp(np.linspace(np.log(F0_MIN - 0.1), np.log(F0_MAX), N_BINS - 1))
    bins32 = bins64.astype(np.float32)
    bins_hi = bins32 + 64.0 * np.spacing(bins32)
    t = np.arange(LUT_SIZE, dtype=np.int64)
    bucket_min = (t << 17).astype(np.int32).view(np.float32)
    return np.searchsorted(bins_hi, bucket_min, side="left").astype(np.int32)


_LUT_NP = _build_lut()


def _sc_bucketize(x_flat, lut, bins_pad, *, chunk):
    b = x_flat.shape[0]
    b_per_w = b // NW
    n_chunks = b_per_w // chunk
    mesh = plsc.VectorSubcoreMesh(
        core_axis_name="c", subcore_axis_name="s", num_cores=NC, num_subcores=NS
    )

    @functools.partial(
        pl.kernel,
        out_type=jax.ShapeDtypeStruct((b,), jnp.int32),
        mesh=mesh,
        compiler_params=pltpu.CompilerParams(needs_layout_passes=False),
        scratch_types=[
            pltpu.VMEM((LUT_SIZE,), jnp.int32),
            pltpu.VMEM((BINS_PAD,), jnp.float32),
            pltpu.VMEM((chunk,), jnp.float32),
            pltpu.VMEM((chunk,), jnp.int32),
        ],
    )
    def k(x_hbm, lut_hbm, bins_hbm, out_hbm, lut_v, bins_v, x_v, idx_v):
        wid = lax.axis_index("s") * NC + lax.axis_index("c")
        base = wid * b_per_w
        pltpu.sync_copy(lut_hbm, lut_v)
        pltpu.sync_copy(bins_hbm, bins_v)

        def chunk_body(ci, carry):
            lo = base + ci * chunk
            pltpu.sync_copy(x_hbm.at[pl.ds(lo, chunk)], x_v)

            def vec_body(i, carry2):
                xv = x_v[pl.ds(i * L, L)]
                bits = lax.bitcast_convert_type(xv, jnp.int32)
                t = lax.shift_right_logical(bits, 17)
                bidx = plsc.load_gather(lut_v, [t])
                c0 = plsc.load_gather(bins_v, [bidx])
                c1 = plsc.load_gather(bins_v, [bidx + 1])
                c2 = plsc.load_gather(bins_v, [bidx + 2])
                idx = (bidx + (c0 < xv).astype(jnp.int32)
                       + (c1 < xv).astype(jnp.int32)
                       + (c2 < xv).astype(jnp.int32))
                idx_v[pl.ds(i * L, L)] = idx
                return carry2

            lax.fori_loop(0, chunk // L, vec_body, 0)
            pltpu.sync_copy(idx_v, out_hbm.at[pl.ds(lo, chunk)])
            return carry

        lax.fori_loop(0, n_chunks, chunk_body, 0)

    return k(x_flat, lut, bins_pad)


def _tc_embed(idx_t3, table_t_hi, *, seq, batch, bs):
    def body(idx_ref, thi_ref, out_ref):
        ks = lax.broadcasted_iota(jnp.int16, (N_BINS, batch), 0)
        for r in range(bs):
            idx_row = idx_ref[r]
            oh = (ks == idx_row).astype(jnp.bfloat16)
            out_ref[r] = lax.dot_general(
                thi_ref[...], oh, (((1,), (0,)), ((), ())),
                preferred_element_type=jnp.float32)

    return pl.pallas_call(
        body,
        grid=(seq // bs,),
        in_specs=[
            pl.BlockSpec((bs, 1, batch), lambda i: (i, 0, 0)),
            pl.BlockSpec((EMBED_DIM, N_BINS), lambda i: (0, 0)),
        ],
        out_specs=pl.BlockSpec((bs, EMBED_DIM, batch), lambda i: (i, 0, 0)),
        out_shape=jax.ShapeDtypeStruct((seq, EMBED_DIM, batch), jnp.float32),
    )(idx_t3, table_t_hi)


def kernel(x, table):
    batch, seq = x.shape
    bins = jnp.exp(
        jnp.linspace(np.log(F0_MIN - 0.1), np.log(F0_MAX), N_BINS - 1)
    ).astype(jnp.float32)
    bins_pad = jnp.concatenate(
        [bins, jnp.full((BINS_PAD - (N_BINS - 1),), jnp.inf, jnp.float32)]
    )
    lut = jnp.asarray(_LUT_NP)

    xt_flat = x.T.reshape(-1)
    idx_flat = _sc_bucketize(xt_flat, lut, bins_pad, chunk=512)
    idx_t3 = idx_flat.astype(jnp.int16).reshape(seq, 1, batch)

    t_hi = table.astype(jnp.bfloat16)
    out3 = _tc_embed(idx_t3, t_hi.T, seq=seq, batch=batch, bs=4)
    return jnp.transpose(out3, (2, 0, 1))

# --- scband reference (transcript-rebuilt; emitter-appended) ---
"""Pipeline reference for scband-melody-encoder-53764400611797 (READ-ONLY COPY).

The authoritative reference and input builder live on the scoring server;
editing this copy changes nothing except your own understanding.
"""

import jax, jax.numpy as jnp
import numpy as np

F0_MIN = 32.70319566257483  # librosa.note_to_hz('C1')
F0_MAX = 2093.004522404789  # librosa.note_to_hz('C7')
N_BINS = 256
EMBED_DIM = 64
BATCH = 4096
SEQ = 200


def _melody_bins():
    # torch: exp(linspace(log(f0_min - 0.1), log(f0_max), n_bins - 1))
    return jnp.exp(jnp.linspace(np.log(F0_MIN - 0.1), np.log(F0_MAX), N_BINS - 1)).astype(jnp.float32)


def setup_inputs(seed: int = 0) -> dict:
    key = jax.random.key(seed)
    kx, kt = jax.random.split(key)
    # f0 values spanning the full C1..C7 range so all buckets get exercised
    x = jax.random.uniform(kx, (BATCH, SEQ), dtype=jnp.float32, minval=0.0, maxval=2200.0)
    # nn.Embedding weight, default init N(0, 1)
    table = jax.random.normal(kt, (N_BINS, EMBED_DIM), dtype=jnp.float32)
    return {"x": x, "table": table}


def reference(x, table):
    bins = _melody_bins()
    # torch.bucketize(x, boundaries, right=False) == searchsorted side='left'
    idx = jnp.searchsorted(bins, x, side='left')
    # nn.Embedding lookup
    return jnp.take(table, idx, axis=0)

if __name__ == "__main__":
    import jax
    _d = setup_inputs()
    print(jax.jit(kernel)(*tuple(_d.values())))

</pallas_src>

<mosaic_0001>
#map = affine_map<(d0, d1) -> (0)>
module attributes {stable_mosaic.version = 14 : i64} {
  func.func @k(%arg0: i32, %arg1: i32, %arg2: memref<819200xf32, #tpu.memory_space<hbm>>, %arg3: memref<16384xi32, #tpu.memory_space<hbm>>, %arg4: memref<272xf32, #tpu.memory_space<hbm>>, %arg5: memref<819200xi32, #tpu.memory_space<hbm>>, %arg6: memref<16384xi32, #tpu.memory_space<vmem>>, %arg7: memref<272xf32, #tpu.memory_space<vmem>>, %arg8: memref<512xf32, #tpu.memory_space<vmem>>, %arg9: memref<512xi32, #tpu.memory_space<vmem>>) attributes {dimension_semantics = [#tpu.dimension_semantics<core_parallel>, #tpu.dimension_semantics<subcore_parallel>], iteration_bounds = array<i64: 2, 16>, scalar_prefetch = 0 : i64, scratch_operands = 4 : i64, tpu.core_type = #tpu.core_type<sc_vector_subcore>, window_params = [{transform_indices = #map}, {transform_indices = #map}, {transform_indices = #map}, {transform_indices = #map}]} {
    %mul3A = arith.constant 2 : i32
    %mul3A_0 = arith.muli %arg1, %mul3A : i32
    %add3A = arith.addi %mul3A_0, %arg0 : i32
    %mul3A_1 = arith.constant 25600 : i32
    %mul3A_2 = arith.muli %add3A, %mul3A_1 : i32
    "tpu.region"() ({
      %run_scoped3A = tpu.sem_alloc : memref<!tpu.dma_semaphore, #tpu.memory_space<semaphore_mem>>
      tpu.enqueue_dma source(%arg3 : memref<16384xi32, #tpu.memory_space<hbm>>) target(%arg6 : memref<16384xi32, #tpu.memory_space<vmem>>) target_semaphore(%run_scoped3A : memref<!tpu.dma_semaphore, #tpu.memory_space<semaphore_mem>>)
      tpu.wait_dma2 semaphore(%run_scoped3A : memref<!tpu.dma_semaphore, #tpu.memory_space<semaphore_mem>>) src(%arg3 : memref<16384xi32, #tpu.memory_space<hbm>>) dst(%arg6 : memref<16384xi32, #tpu.memory_space<vmem>>)
      tpu.yield
    }) : () -> ()
    "tpu.region"() ({
      %run_scoped3A = tpu.sem_alloc : memref<!tpu.dma_semaphore, #tpu.memory_space<semaphore_mem>>
      tpu.enqueue_dma source(%arg4 : memref<272xf32, #tpu.memory_space<hbm>>) target(%arg7 : memref<272xf32, #tpu.memory_space<vmem>>) target_semaphore(%run_scoped3A : memref<!tpu.dma_semaphore, #tpu.memory_space<semaphore_mem>>)
      tpu.wait_dma2 semaphore(%run_scoped3A : memref<!tpu.dma_semaphore, #tpu.memory_space<semaphore_mem>>) src(%arg4 : memref<272xf32, #tpu.memory_space<hbm>>) dst(%arg7 : memref<272xf32, #tpu.memory_space<vmem>>)
      tpu.yield
    }) : () -> ()
    %scan3A = arith.constant 0 : i32
    %scan3A_3 = arith.constant 0 : i32
    %scan3A_4 = arith.constant 50 : i32
    %scan3A_5 = arith.addi %scan3A_3, %scan3A_4 : i32
    %scan3A_6 = arith.constant 1 : i32
    scf.for %scan3A_8 = %scan3A_3 to %scan3A_5 step %scan3A_6  : i32 {
      %mul3A_9 = arith.constant 512 : i32
      %mul3A_10 = arith.muli %scan3A_8, %mul3A_9 : i32
      %add3A_11 = arith.addi %mul3A_2, %mul3A_10 : i32
      "tpu.region"() ({
        %run_scoped3A = tpu.sem_alloc : memref<!tpu.dma_semaphore, #tpu.memory_space<semaphore_mem>>
        %dma_start3A = tpu.memref_slice %arg2[%add3A_11] : memref<819200xf32, #tpu.memory_space<hbm>> -> memref<512xf32, #tpu.memory_space<hbm>>
        %dma_start3A_18 = tpu.memref_slice %arg2[%add3A_11] : memref<819200xf32, #tpu.memory_space<hbm>> -> memref<512xf32, #tpu.memory_space<hbm>>
        tpu.enqueue_dma source(%dma_start3A_18 : memref<512xf32, #tpu.memory_space<hbm>>) target(%arg8 : memref<512xf32, #tpu.memory_space<vmem>>) target_semaphore(%run_scoped3A : memref<!tpu.dma_semaphore, #tpu.memory_space<semaphore_mem>>)
        %dma_wait3A = tpu.memref_slice %arg2[%add3A_11] : memref<819200xf32, #tpu.memory_space<hbm>> -> memref<512xf32, #tpu.memory_space<hbm>>
        %dma_wait3A_19 = tpu.memref_slice %arg2[%add3A_11] : memref<819200xf32, #tpu.memory_space<hbm>> -> memref<512xf32, #tpu.memory_space<hbm>>
        tpu.wait_dma2 semaphore(%run_scoped3A : memref<!tpu.dma_semaphore, #tpu.memory_space<semaphore_mem>>) src(%dma_wait3A_19 : memref<512xf32, #tpu.memory_space<hbm>>) dst(%arg8 : memref<512xf32, #tpu.memory_space<vmem>>)
        tpu.yield
      }) : () -> ()
      %scan3A_12 = arith.constant 0 : i32
      %scan3A_13 = arith.constant 0 : i32
      %scan3A_14 = arith.constant 32 : i32
      %scan3A_15 = arith.addi %scan3A_13, %scan3A_14 : i32
      %scan3A_16 = arith.constant 1 : i32
      scf.for %scan3A_18 = %scan3A_13 to %scan3A_15 step %scan3A_16  : i32 {
        %mul3A_19 = arith.constant 16 : i32
        %mul3A_20 = arith.muli %scan3A_18, %mul3A_19 : i32
        %get3A = arith.index_cast %mul3A_20 : i32 to index
        %get3A_21 = tpu.vector_load %arg8[%get3A] {strides = array<i32>} : memref<512xf32, #tpu.memory_space<vmem>>, vector<16xf32>,
        %bitcast_convert_type3A = tpu.bitcast %get3A_21 : vector<16xf32> -> vector<16xi32>
        %shift_right_logical3A = arith.constant 17 : i32
        %shift_right_logical3A_22 = vector.broadcast %shift_right_logical3A : i32 to vector<16xi32>
        %shift_right_logical3A_23 = arith.shrui %bitcast_convert_type3A, %shift_right_logical3A_22 : vector<16xi32>
        %gather3A = tpu.vector_load_idx %arg6[%shift_right_logical3A_23] : memref<16384xi32, #tpu.memory_space<vmem>>[vector<16xi32>], vector<16xi32>,
        %gather3A_24 = tpu.vector_load_idx %arg7[%gather3A] : memref<272xf32, #tpu.memory_space<vmem>>[vector<16xi32>], vector<16xf32>,
        %add3A_25 = arith.constant 1 : i32
        %add3A_26 = vector.broadcast %add3A_25 : i32 to vector<16xi32>
        %add3A_27 = arith.addi %gather3A, %add3A_26 : vector<16xi32>
        %gather3A_28 = tpu.vector_load_idx %arg7[%add3A_27] : memref<272xf32, #tpu.memory_space<vmem>>[vector<16xi32>], vector<16xf32>,
        %add3A_29 = arith.constant 2 : i32
        %add3A_30 = vector.broadcast %add3A_29 : i32 to vector<16xi32>
        %add3A_31 = arith.addi %gather3A, %add3A_30 : vector<16xi32>
        %gather3A_32 = tpu.vector_load_idx %arg7[%add3A_31] : memref<272xf32, #tpu.memory_space<vmem>>[vector<16xi32>], vector<16xf32>,
        %lt3A = arith.cmpf olt, %gather3A_24, %get3A_21 : vector<16xf32>
        %convert_element_type3A = arith.extui %lt3A : vector<16xi1> to vector<16xi32>
        %add3A_33 = arith.addi %gather3A, %convert_element_type3A : vector<16xi32>
        %lt3A_34 = arith.cmpf olt, %gather3A_28, %get3A_21 : vector<16xf32>
        %convert_element_type3A_35 = arith.extui %lt3A_34 : vector<16xi1> to vector<16xi32>
        %add3A_36 = arith.addi %add3A_33, %convert_element_type3A_35 : vector<16xi32>
        %lt3A_37 = arith.cmpf olt, %gather3A_32, %get3A_21 : vector<16xf32>
        %convert_element_type3A_38 = arith.extui %lt3A_37 : vector<16xi1> to vector<16xi32>
        %add3A_39 = arith.addi %add3A_36, %convert_element_type3A_38 : vector<16xi32>
        %mul3A_40 = arith.constant 16 : i32
        %mul3A_41 = arith.muli %scan3A_18, %mul3A_40 : i32
        %swap3A = arith.index_cast %mul3A_41 : i32 to index
        %swap3A_42 = tpu.vector_load %arg9[%swap3A] {strides = array<i32>} : memref<512xi32, #tpu.memory_space<vmem>>, vector<16xi32>,
        tpu.vector_store %arg9[%swap3A], %add3A_39 {strides = array<i32>} : memref<512xi32, #tpu.memory_space<vmem>>, vector<16xi32>,
      }
      %scan3A_17 = arith.constant 32 : i32
      "tpu.region"() ({
        %run_scoped3A = tpu.sem_alloc : memref<!tpu.dma_semaphore, #tpu.memory_space<semaphore_mem>>
        %dma_start3A = tpu.memref_slice %arg5[%add3A_11] : memref<819200xi32, #tpu.memory_space<hbm>> -> memref<512xi32, #tpu.memory_space<hbm>>
        %dma_start3A_18 = tpu.memref_slice %arg5[%add3A_11] : memref<819200xi32, #tpu.memory_space<hbm>> -> memref<512xi32, #tpu.memory_space<hbm>>
        tpu.enqueue_dma source(%arg9 : memref<512xi32, #tpu.memory_space<vmem>>) target(%dma_start3A_18 : memref<512xi32, #tpu.memory_space<hbm>>) target_semaphore(%run_scoped3A : memref<!tpu.dma_semaphore, #tpu.memory_space<semaphore_mem>>)
        %dma_wait3A = tpu.memref_slice %arg5[%add3A_11] : memref<819200xi32, #tpu.memory_space<hbm>> -> memref<512xi32, #tpu.memory_space<hbm>>
        %dma_wait3A_19 = tpu.memref_slice %arg5[%add3A_11] : memref<819200xi32, #tpu.memory_space<hbm>> -> memref<512xi32, #tpu.memory_space<hbm>>
        tpu.wait_dma2 semaphore(%run_scoped3A : memref<!tpu.dma_semaphore, #tpu.memory_space<semaphore_mem>>) src(%arg9 : memref<512xi32, #tpu.memory_space<vmem>>) dst(%dma_wait3A_19 : memref<512xi32, #tpu.memory_space<hbm>>)
        tpu.yield
      }) : () -> ()
    }
    %scan3A_7 = arith.constant 50 : i32
    return
  }
}

module attributes {stable_mosaic.version = 14 : i64} {
  func.func @body(%arg0: i32, %arg1: memref<4x1x4096xi16, #tpu.memory_space<vmem>>, %arg2: memref<64x256xbf16, #tpu.memory_space<vmem>>, %arg3: memref<4x64x4096xf32, #tpu.memory_space<vmem>>) attributes {dimension_semantics = [#tpu.dimension_semantics<arbitrary>], iteration_bounds = array<i64: 50>, scalar_prefetch = 0 : i64, scratch_operands = 0 : i64, tpu.core_type = #tpu.core_type<tc>, window_params = [{transform_indices = @transform_0, window_bounds = array<i64: 4, 1, 4096>}, {pipeline_mode = #tpu.pipeline_mode<synchronous>, transform_indices = @transform_1, window_bounds = array<i64: 64, 256>}, {transform_indices = @transform_2, window_bounds = array<i64: 4, 64, 4096>}]} {
    %iota3A = tpu.iota {dimensions = array<i32: 0>} : vector<256x4096xi16>
    %get3A = arith.constant 0 : index
    %get3A_0 = arith.constant 0 : index
    %get3A_1 = arith.constant 0 : index
    %get3A_2 = vector.load %arg1[%get3A, %get3A_0, %get3A_1] : memref<4x1x4096xi16, #tpu.memory_space<vmem>>, vector<1x1x4096xi16>
    %get3A_3 = vector.shape_cast %get3A_2 : vector<1x1x4096xi16> to vector<1x4096xi16>
    %eq3A = vector.broadcast %get3A_3 : vector<1x4096xi16> to vector<256x4096xi16>
    %eq3A_4 = arith.cmpi eq, %iota3A, %eq3A : vector<256x4096xi16>
    %convert_element_type3A = arith.extui %eq3A_4 : vector<256x4096xi1> to vector<256x4096xi32>
    %convert_element_type3A_5 = arith.sitofp %convert_element_type3A : vector<256x4096xi32> to vector<256x4096xf32>
    %convert_element_type3A_6 = arith.truncf %convert_element_type3A_5 : vector<256x4096xf32> to vector<256x4096xbf16>
    %get3A_7 = arith.constant 0 : index
    %get3A_8 = arith.constant 0 : index
    %get3A_9 = vector.load %arg2[%get3A_7, %get3A_8] : memref<64x256xbf16, #tpu.memory_space<vmem>>, vector<64x256xbf16>
    %dot_general3A = arith.constant dense<0.000000e+00> : vector<64x4096xf32>
    %dot_general3A_10 = tpu.matmul %get3A_9, %convert_element_type3A_6, %dot_general3A {dimension_numbers = #tpu.dot_dimension_numbers<[1], [0], [0], [1], [0, 0, 1, 1], [], []>, transpose_lhs_hint = false} : vector<64x256xbf16>, vector<256x4096xbf16>, vector<64x4096xf32> -> vector<64x4096xf32>
    %swap3A = arith.constant 0 : index
    %swap3A_11 = arith.constant 0 : index
    %swap3A_12 = arith.constant 0 : index
    %swap3A_13 = vector.load %arg3[%swap3A, %swap3A_11, %swap3A_12] : memref<4x64x4096xf32, #tpu.memory_space<vmem>>, vector<1x64x4096xf32>
    %swap3A_14 = vector.shape_cast %swap3A_13 : vector<1x64x4096xf32> to vector<64x4096xf32>
    %swap3A_15 = vector.shape_cast %dot_general3A_10 : vector<64x4096xf32> to vector<1x64x4096xf32>
    tpu.vector_store %arg3[%swap3A, %swap3A_11, %swap3A_12], %swap3A_15 {strides = array<i32>} : memref<4x64x4096xf32, #tpu.memory_space<vmem>>, vector<1x64x4096xf32>,
    %get3A_16 = arith.constant 1 : index
    %get3A_17 = arith.constant 0 : index
    %get3A_18 = arith.constant 0 : index
    %get3A_19 = vector.load %arg1[%get3A_16, %get3A_17, %get3A_18] : memref<4x1x4096xi16, #tpu.memory_space<vmem>>, vector<1x1x4096xi16>
    %get3A_20 = vector.shape_cast %get3A_19 : vector<1x1x4096xi16> to vector<1x4096xi16>
    %eq3A_21 = vector.broadcast %get3A_20 : vector<1x4096xi16> to vector<256x4096xi16>
    %eq3A_22 = arith.cmpi eq, %iota3A, %eq3A_21 : vector<256x4096xi16>
    %convert_element_type3A_23 = arith.extui %eq3A_22 : vector<256x4096xi1> to vector<256x4096xi32>
    %convert_element_type3A_24 = arith.sitofp %convert_element_type3A_23 : vector<256x4096xi32> to vector<256x4096xf32>
    %convert_element_type3A_25 = arith.truncf %convert_element_type3A_24 : vector<256x4096xf32> to vector<256x4096xbf16>
    %get3A_26 = arith.constant 0 : index
    %get3A_27 = arith.constant 0 : index
    %get3A_28 = vector.load %arg2[%get3A_26, %get3A_27] : memref<64x256xbf16, #tpu.memory_space<vmem>>, vector<64x256xbf16>
    %dot_general3A_29 = arith.constant dense<0.000000e+00> : vector<64x4096xf32>
    %dot_general3A_30 = tpu.matmul %get3A_28, %convert_element_type3A_25, %dot_general3A_29 {dimension_numbers = #tpu.dot_dimension_numbers<[1], [0], [0], [1], [0, 0, 1, 1], [], []>, transpose_lhs_hint = false} : vector<64x256xbf16>, vector<256x4096xbf16>, vector<64x4096xf32> -> vector<64x4096xf32>
    %swap3A_31 = arith.constant 1 : index
    %swap3A_32 = arith.constant 0 : index
    %swap3A_33 = arith.constant 0 : index
    %swap3A_34 = vector.load %arg3[%swap3A_31, %swap3A_32, %swap3A_33] : memref<4x64x4096xf32, #tpu.memory_space<vmem>>, vector<1x64x4096xf32>
    %swap3A_35 = vector.shape_cast %swap3A_34 : vector<1x64x4096xf32> to vector<64x4096xf32>
    %swap3A_36 = vector.shape_cast %dot_general3A_30 : vector<64x4096xf32> to vector<1x64x4096xf32>
    tpu.vector_store %arg3[%swap3A_31, %swap3A_32, %swap3A_33], %swap3A_36 {strides = array<i32>} : memref<4x64x4096xf32, #tpu.memory_space<vmem>>, vector<1x64x4096xf32>,
    %get3A_37 = arith.constant 2 : index
    %get3A_38 = arith.constant 0 : index
    %get3A_39 = arith.constant 0 : index
    %get3A_40 = vector.load %arg1[%get3A_37, %get3A_38, %get3A_39] : memref<4x1x4096xi16, #tpu.memory_space<vmem>>, vector<1x1x4096xi16>
    %get3A_41 = vector.shape_cast %get3A_40 : vector<1x1x4096xi16> to vector<1x4096xi16>
    %eq3A_42 = vector.broadcast %get3A_41 : vector<1x4096xi16> to vector<256x4096xi16>
    %eq3A_43 = arith.cmpi eq, %iota3A, %eq3A_42 : vector<256x4096xi16>
    %convert_element_type3A_44 = arith.extui %eq3A_43 : vector<256x4096xi1> to vector<256x4096xi32>
    %convert_element_type3A_45 = arith.sitofp %convert_element_type3A_44 : vector<256x4096xi32> to vector<256x4096xf32>
    %convert_element_type3A_46 = arith.truncf %convert_element_type3A_45 : vector<256x4096xf32> to vector<256x4096xbf16>
    %get3A_47 = arith.constant 0 : index
    %get3A_48 = arith.constant 0 : index
    %get3A_49 = vector.load %arg2[%get3A_47, %get3A_48] : memref<64x256xbf16, #tpu.memory_space<vmem>>, vector<64x256xbf16>
    %dot_general3A_50 = arith.constant dense<0.000000e+00> : vector<64x4096xf32>
    %dot_general3A_51 = tpu.matmul %get3A_49, %convert_element_type3A_46, %dot_general3A_50 {dimension_numbers = #tpu.dot_dimension_numbers<[1], [0], [0], [1], [0, 0, 1, 1], [], []>, transpose_lhs_hint = false} : vector<64x256xbf16>, vector<256x4096xbf16>, vector<64x4096xf32> -> vector<64x4096xf32>
    %swap3A_52 = arith.constant 2 : index
    %swap3A_53 = arith.constant 0 : index
    %swap3A_54 = arith.constant 0 : index
    %swap3A_55 = vector.load %arg3[%swap3A_52, %swap3A_53, %swap3A_54] : memref<4x64x4096xf32, #tpu.memory_space<vmem>>, vector<1x64x4096xf32>
    %swap3A_56 = vector.shape_cast %swap3A_55 : vector<1x64x4096xf32> to vector<64x4096xf32>
    %swap3A_57 = vector.shape_cast %dot_general3A_51 : vector<64x4096xf32> to vector<1x64x4096xf32>
    tpu.vector_store %arg3[%swap3A_52, %swap3A_53, %swap3A_54], %swap3A_57 {strides = array<i32>} : memref<4x64x4096xf32, #tpu.memory_space<vmem>>, vector<1x64x4096xf32>,
    %get3A_58 = arith.constant 3 : index
    %get3A_59 = arith.constant 0 : index
    %get3A_60 = arith.constant 0 : index
    %get3A_61 = vector.load %arg1[%get3A_58, %get3A_59, %get3A_60] : memref<4x1x4096xi16, #tpu.memory_space<vmem>>, vector<1x1x4096xi16>
    %get3A_62 = vector.shape_cast %get3A_61 : vector<1x1x4096xi16> to vector<1x4096xi16>
    %eq3A_63 = vector.broadcast %get3A_62 : vector<1x4096xi16> to vector<256x4096xi16>
    %eq3A_64 = arith.cmpi eq, %iota3A, %eq3A_63 : vector<256x4096xi16>
    %convert_element_type3A_65 = arith.extui %eq3A_64 : vector<256x4096xi1> to vector<256x4096xi32>
    %convert_element_type3A_66 = arith.sitofp %convert_element_type3A_65 : vector<256x4096xi32> to vector<256x4096xf32>
    %convert_element_type3A_67 = arith.truncf %convert_element_type3A_66 : vector<256x4096xf32> to vector<256x4096xbf16>
    %get3A_68 = arith.constant 0 : index
    %get3A_69 = arith.constant 0 : index
    %get3A_70 = vector.load %arg2[%get3A_68, %get3A_69] : memref<64x256xbf16, #tpu.memory_space<vmem>>, vector<64x256xbf16>
    %dot_general3A_71 = arith.constant dense<0.000000e+00> : vector<64x4096xf32>
    %dot_general3A_72 = tpu.matmul %get3A_70, %convert_element_type3A_67, %dot_general3A_71 {dimension_numbers = #tpu.dot_dimension_numbers<[1], [0], [0], [1], [0, 0, 1, 1], [], []>, transpose_lhs_hint = false} : vector<64x256xbf16>, vector<256x4096xbf16>, vector<64x4096xf32> -> vector<64x4096xf32>
    %swap3A_73 = arith.constant 3 : index
    %swap3A_74 = arith.constant 0 : index
    %swap3A_75 = arith.constant 0 : index
    %swap3A_76 = vector.load %arg3[%swap3A_73, %swap3A_74, %swap3A_75] : memref<4x64x4096xf32, #tpu.memory_space<vmem>>, vector<1x64x4096xf32>
    %swap3A_77 = vector.shape_cast %swap3A_76 : vector<1x64x4096xf32> to vector<64x4096xf32>
    %swap3A_78 = vector.shape_cast %dot_general3A_72 : vector<64x4096xf32> to vector<1x64x4096xf32>
    tpu.vector_store %arg3[%swap3A_73, %swap3A_74, %swap3A_75], %swap3A_78 {strides = array<i32>} : memref<4x64x4096xf32, #tpu.memory_space<vmem>>, vector<1x64x4096xf32>,
    return
  }
  func.func @transform_0(%arg0: i32) -> (i32, i32, i32) {
    %c0_i32 = arith.constant 0 : i32
    %c0_i32_0 = arith.constant 0 : i32
    %c0_i32_1 = arith.constant 0 : i32
    return %arg0, %c0_i32, %c0_i32_0 : i32, i32, i32
  }
  func.func @transform_1(%arg0: i32) -> (i32, i32) {
    %c0_i32 = arith.constant 0 : i32
    %c0_i32_0 = arith.constant 0 : i32
    %c0_i32_1 = arith.constant 0 : i32
    return %c0_i32, %c0_i32_0 : i32, i32
  }
  func.func @transform_2(%arg0: i32) -> (i32, i32, i32) {
    %c0_i32 = arith.constant 0 : i32
    %c0_i32_0 = arith.constant 0 : i32
    %c0_i32_1 = arith.constant 0 : i32
    return %arg0, %c0_i32, %c0_i32_0 : i32, i32, i32
  }
}

</mosaic_0001>

<sc_bundles>
// kernel: kernel.4.cloned.1.call-start
scs
__scs_entry_jumppad:
0x0: {  	(pc) =	sbr.rel $0x88, $3  }
0x1: {  	(tag) =	ssettag $0x0;
	lr =	simm.s32 $0x1  }
0x2: {  	[smem:$0x3F9F] =	sst lr;
	_ =	strace $0xD0000000  }
0x3: {  	_ = 	snop  }
0x4: {  	_ = 	snop  }
0x5: {  	_ = 	snop  }
0x6: {  	_ = 	snop  }
0x7: {  	_ = 	snop  }
__scs_overlays_trampoline_lowered:
0x8: {  	[smem:$0x3FAE] =	sst s0  }
0x9: {  	[smem:$0x3FAF] =	sst s1  }
0xa: {  	[smem:$0x3FB0] =	sst s2  }
0xb: {  	[smem:$0x3FB1] =	sst s3  }
0xc: {  	[smem:$0x3FB2] =	sst s4  }
0xd: {  	[smem:$0x3FB3] =	sst s5  }
0xe: {  	[smem:$0x3FB4] =	sst s6  }
0xf: {  	[smem:$0x3FB5] =	sst s7  }
0x10: {  	[smem:$0x3FB6] =	sst s8  }
0x11: {  	[smem:$0x3FB7] =	sst s9;
	s0 =	simm.s32 @!p0 $0x0  }
0x12: {  	s1 =	sld [smem:$0x3F9D];
	s0 =	simm.s32 @p0 $0x1  }
0x13: {  	[smem:$0x3FB8] =	sst s0;
	s0 =	simm.s32 @!p1 $0x0  }
0x14: {  	s2 =	sld [smem:$0x3F9C];
	s0 =	simm.s32 @p1 $0x1  }
0x15: {  	[smem:$0x3FB9] =	sst s0;
	s0 =	simm.s32 @!p2 $0x0  }
0x16: {  	s3 =	sld [smem:$0x3FDB];
	s0 =	simm.s32 @p2 $0x1  }
0x17: {  	s4 =	simm.s32 $0x1BF5;
	[smem:$0x3FBB] =	sst s0  }
0x18: {  	s0 =	sld [smem:$0x3F9E];
	_ =	swait.ge [sflag:s4], $0x0  }
0x19: {  	s7 =	sld [smem:$0x3F9F]  }
0x1a: {  	s8 =	sadd.s32 $0xFFFFE003, lr  }
0x1b: {  	s9 =	sadd.s32 $0xFFFFFEF7, lr;
	s5 =	simm.s32 $0xFFFFFFFF;
	p2 =	slt.u32 s8, $0xFFFFF086  }
0x1c: {  	p1 =	slt.u32 s9, $0xF7A;
	s5 =	simm.s32 @!p2 $0x0  }
0x1d: {  	s5 =	simm.s32 @p1 $0x1;
	p0 =	seq.s32 s7, s2  }
0x1e: {  	s7 =	smul.u32 @!p0 $0xF7A, s2;
	p2 =	seq.s32 @!p0 s5, $0x0  }
0x1f: {  	s9 =	smul.u32 $0xF7A, s1;
	s8 =	simm.s32 @!p0 $0x1BF5;
	p2 =	por !p2, p0  }
0x20: {  	[sflag:s8] =	ssyncset.s32 @!p0 $0xFFFFF086;
	s6 =	sadd.s32 @!p0 s3, s7;
	s7 =	simm.s32 @!p0 $0x108  }
0x21: {  	s3 =	sadd.s32 s3, s9;
	s6 =	sadd.s32 @!p0 $0x88, s6;
	s7 =	simm.s32 @p2 $0x1082  }
0x22: {  	[simem:s7], [sflag:s8] =	dma.local @!p0 [hbm:s6], $0xF7A  }
0x23: {  	s9 =	sor.u32 $0xD0000000, s2;
	s6 =	simm.s32 $0x108;
	_ =	swait.ge @!p0 [sflag:s8], $0x0  }
0x24: {  	s3 =	sadd.s32 $0x88, s3;
	s6 =	simm.s32 @!p1 $0x1082;
	[sflag:s4] =	ssyncset.s32 $0xFFFFF086  }
0x25: {  	[simem:s6], [sflag:s4] =	dma.local [hbm:s3], $0xF7A  }
0x26: {  	[smem:$0x3F9F] =	sst s1;
	(tag) =	ssettag s2;
	_ =	strace s9  }
0x27: {  	s1 =	sld [smem:$0x3FAF]  }
0x28: {  	s2 =	sld [smem:$0x3FB0]  }
0x29: {  	s4 =	sld [smem:$0x3FB2]  }
0x2a: {  	p0 =	seq.s32 s5, $0x0;
	s5 =	sld [smem:$0x3FB3]  }
0x2b: {  	s6 =	sld [smem:$0x3FB4]  }
0x2c: {  	s7 =	sld [smem:$0x3FB5]  }
0x2d: {  	s3 =	simm.s32 $0x108;
	s8 =	sld [smem:$0x3FB6]  }
0x2e: {  	s3 =	simm.s32 @!p0 $0x1082;
	s9 =	sld [smem:$0x3FB7]  }
0x2f: {  	lr =	sadd.s32 s0, s3;
	s0 =	sld [smem:$0x3FAE]  }
0x30: {  	s3 =	sld [smem:$0x3FB1]  }
0x31: {  	[smem:$0x3FBA] =	sst s10  }
0x32: {  	s10 =	sld [smem:$0x3FB8];
	_ =	sdelay $0x3  }
0x33: {  	p0 =	seq.s32 s10, $0x1;
	s10 =	sld [smem:$0x3FBA];
	_ =	sdelay $0x3  }
0x34: {  	[smem:$0x3FBA] =	sst s10  }
0x35: {  	s10 =	sld [smem:$0x3FB9];
	_ =	sdelay $0x3  }
0x36: {  	p1 =	seq.s32 s10, $0x1;
	s10 =	sld [smem:$0x3FBA];
	_ =	sdelay $0x3  }
0x37: {  	[smem:$0x3FBA] =	sst s10  }
0x38: {  	s10 =	sld [smem:$0x3FBB]  }
0x39: {  	_ = 	snop;
	(pc) =	sbr.ind lr, $3  }
0x3a: {  	_ = 	snop  }
0x3b: {  	_ = 	snop  }
0x3c: {  	p2 =	seq.s32 s10, $0x1;
	s10 =	sld [smem:$0x3FBA]  }
0x3d: {  	_ =	shalt  }
0x3e: {  	_ =	shalt  }
0x3f: {  	_ =	shalt  }
0x40: {  	_ =	shalt  }
0x41: {  	_ =	shalt  }
0x42: {  	_ =	shalt  }
0x43: {  	_ =	shalt  }
0x44: {  	_ =	shalt  }
0x45: {  	_ =	shalt  }
0x46: {  	_ =	shalt  }
0x47: {  	_ =	shalt  }
0x48: {  	_ =	shalt  }
0x49: {  	_ =	shalt  }
0x4a: {  	_ =	shalt  }
0x4b: {  	_ =	shalt  }
0x4c: {  	_ =	shalt  }
0x4d: {  	_ =	shalt  }
0x4e: {  	_ =	shalt  }
0x4f: {  	_ =	shalt  }
0x50: {  	_ =	shalt  }
0x51: {  	_ =	shalt  }
0x52: {  	_ =	shalt  }
0x53: {  	_ =	shalt  }
0x54: {  	_ =	shalt  }
0x55: {  	_ =	shalt  }
0x56: {  	_ =	shalt  }
0x57: {  	_ =	shalt  }
0x58: {  	_ =	shalt  }
0x59: {  	_ =	shalt  }
0x5a: {  	_ =	shalt  }
0x5b: {  	_ =	shalt  }
0x5c: {  	_ =	shalt  }
0x5d: {  	_ =	shalt  }
0x5e: {  	_ =	shalt  }
0x5f: {  	_ =	shalt  }
0x60: {  	_ =	shalt  }
0x61: {  	_ =	shalt  }
0x62: {  	_ =	shalt  }
0x63: {  	_ =	shalt  }
0x64: {  	_ =	shalt  }
0x65: {  	_ =	shalt  }
0x66: {  	_ =	shalt  }
0x67: {  	_ =	shalt  }
0x68: {  	_ =	shalt  }
0x69: {  	_ =	shalt  }
0x6a: {  	_ =	shalt  }
0x6b: {  	_ =	shalt  }
0x6c: {  	_ =	shalt  }
0x6d: {  	_ =	shalt  }
0x6e: {  	_ =	shalt  }
0x6f: {  	_ =	shalt  }
0x70: {  	_ =	shalt  }
0x71: {  	_ =	shalt  }
0x72: {  	_ =	shalt  }
0x73: {  	_ =	shalt  }
0x74: {  	_ =	shalt  }
0x75: {  	_ =	shalt  }
0x76: {  	_ =	shalt  }
0x77: {  	_ =	shalt  }
0x78: {  	_ =	shalt  }
0x79: {  	_ =	shalt  }
0x7a: {  	_ =	shalt  }
0x7b: {  	_ =	shalt  }
0x7c: {  	_ =	shalt  }
0x7d: {  	_ =	shalt  }
0x7e: {  	_ =	shalt  }
0x7f: {  	_ =	shalt  }
0x80: {  	_ =	shalt  }
0x81: {  	_ =	shalt  }
0x82: {  	_ =	shalt  }
0x83: {  	_ =	shalt  }
0x84: {  	_ =	shalt  }
0x85: {  	_ =	shalt  }
0x86: {  	_ =	shalt  }
0x87: {  	_ =	shalt  }
.Lfunc_end0:
.L_simem_size_0:
called_computation_lowered:
.L_overlay_start_0:
0x88: {  	s2 =	sld [smem:$0x3FD9]  }
0x89: {  	s3 =	sld [smem:$0x3FFE];
	_ =	sdelay $0x1  }
0x8a: {  	s1 =	srdreg.scid  }
0x8b: {  	s0 =	sand.u32 $0x1, s1  }
0x8c: {  	s17 =	sshll.u32 s0, $0xA;
	s2 =	sadd.s32 s3, s2  }
0x8d: {  	s2 =	sadd.s32 s2, s17  }
0x8e: {  	[smem:$0x3FC6] =	sst s2  }
0x8f: {  	_ = 	snop  }
0x90: {  	s2 =	sld [smem:$0x3FD0];
	(tm) =	ssettm $0x1  }
0x91: {  	s18 =	sld [smem:$0x3FFB];
	_ =	sdelay $0x3  }
0x92: {  	_ =	strace s18  }
0x93: {  	s3 =	sld [smem:$0x3FFC];
	_ =	sdelay $0x3  }
0x94: {  	_ =	strace s3  }
0x95: {  	s3 =	sld [smem:$0x3FFD];
	_ =	sdelay $0x3  }
0x96: {  	_ =	strace s3  }
0x97: {  	_ =	strace $0x8FFFFFFF  }
0x98: {  	s19 =	sld [smem:$0x3FDB];
	_ =	sdelay $0x1  }
0x99: {  	s4 =	simm.s32 $_scs_section_size  }
0x9a: {  	s5 =	simm.s32 $_size__tile_overlayer_lowered;
	s6 =	simm.s32 $_tile_overlayer_lowered  }
0x9b: {  	s22 =	simm.s32 $0x1BFF;
	s21 =	sshll.u32 s6, $0x1;
	s3 =	sadd.s32 s4, s19  }
0x9c: {  	s7 =	simm.s32 $0x0;
	s20 =	sshll.u32 s5, $0x1;
	s5 =	sadd.s32 s21, s3  }
0x9d: {  	[timem:s7], [sflag:s22] =	dma.local [hbm:s5], s20  }
0x9e: {  	_ =	swait.ge [sflag:s22], s20  }
0x9f: {  	s4 =	ssub.s32 $0x0, s20;
	[sflag:s22] =	ssyncset.done $0x0  }
0xa0: {  	[sflag:s22] =	ssyncadd.s32 s4;
	_ =	sdelay $0x1  }
0xa1: {  	s23 =	simm.s32 $0x1B8B  }
0xa2: {  	_ =	swait.ge [sflag:s23], $0x1  }
0xa3: {  	[sflag:s23] =	ssyncset.done $0x0  }
0xa4: {  	s25 =	simm.s32 $0x1B8E;
	s24 =	sld [smem:$0x3FFE];
	[sflag:s23] =	ssyncadd.s32 $0xFFFFFFFF  }
0xa5: {  	s26 =	simm.s32 $execute0_lowered;
	[smem:$0x3FD2] =	sst s25  }
0xa6: {  	s5 =	sshll.u32 s26, $0x1;
	_ =	strace $0x80000046;
	[dreg:$0x1] =	wrdreg $0xFFFFFFFF  }
0xa7: {  	s28 =	simm.s32 $_size_execute0_lowered;
	s3 =	sadd.s32 s3, s5;
	[dreg:$0x0] =	wrdreg $0x0  }
0xa8: {  	s5 =	sshll.u32 s28, $0x1;
	[dreg:$0x2] =	wrdreg s3  }
0xa9: {  	[dreg:$0x3] =	wrdreg s5  }
0xaa: {  	[dreg:$0x4] =	wrdreg $0xC0  }
0xab: {  	_ =	task [dreg:s7], $0x5FFFF  }
0xac: {  	[dreg:$0x1] =	wrdreg $0xFFFFFFFF  }
0xad: {  	[dreg:$0x0] =	wrdreg $0x60  }
0xae: {  	[dreg:$0x2] =	wrdreg s2  }
0xaf: {  	[dreg:$0x3] =	wrdreg s24  }
0xb0: {  	[dreg:$0x4] =	wrdreg $0x9  }
0xb1: {  	_ =	task.clear_ibuf [dreg:s7], $0x5FFFF;
	_ =	strace $0x90000046  }
0xb2: {  	s29 =	simm.s32 $0x9;
	_ =	strace $0x80000048  }
0xb3: {  	_ =	swait.ge [sflag:s29], $0x1  }
0xb4: {  	[sflag:s29] =	ssyncadd.s32 $0xFFFFFFFF  }
0xb5: {  	_ =	strace $0x90000048  }
0xb6: {  	_ =	sfence  }
0xb7: {  	s30 =	sld [smem:$0x0];
	_ =	sdelay $0x2  }
0xb8: {  	s31 =	sshll.u32 s1, $0xD;
	s1 =	sshrl.u32 s1, $0x2  }
0xb9: {  	s3 =	sand.u32 $0x4000, s31;
	s1 =	sadd.s32 s1, s30  }
0xba: {  	s0 =	sor.u32 s3, s0;
	s1 =	sshll.u32 s1, $0x11  }
0xbb: {  	s0 =	sor.u32 s1, s0  }
0xbc: {  	s0 =	sadd.s32 $0x8F2B, s0  }
0xbd: {  	[sflag:s0] =	ssyncadd.remote.s32 $0x1  }
0xbe: {  	_ =	sfence.sel $0xFFFF  }
0xbf: {  	[dreg:$0x0] =	wrdreg $0xFFFFFFFF;
	(pc) =	sbr.abs _section_cstart, $3  }
0xc0: {  	[dreg:$0x1] =	wrdreg $0xFFFFFFFF  }
0xc1: {  	_ =	task.clear_ibuf [dreg:s7], $0x2FFFF;
	_ =	strace $0x9FFFFFFF  }
0xc2: {  	(tm) =	ssettm $0x7FFFFFFF  }
0xc3: {  	_ =	shalt  }
tec
execute0_lowered:
.L_overlay_start_1:
0x0: {  	(tag) =	ssettag $0x1  }
0x1: {  	s1 =	rddreg [dreg:$0x0]  }
0x2: {  	s6 =	rddreg [dreg:$0x1]  }
0x3: {  	s0 =	rddreg [dreg:$0x2]  }
0x4: {  	s3 =	simm.s32 $0x0;
	s4 =	srdreg.scid;
	s2 =	stileid.u32  }
0x5: {  	s11 =	simm.s32 $0x4180;
	s12 =	simm.s32 $0x4380;
	s13 =	simm.s32 $0x0  }
0x6: {  	[smem:$0x7FF] =	sst s3;
	s7 =	sand.u32 $0x1, s4;
	s4 =	sadd.s32 $0xA00, s6  }
0x7: {  	s9 =	sshll.u32 s2, $0x1;
	s5 =	sadd.s32 $0x800, s6;
	s8 =	ssub.s32 $0x2, s7  }
0x8: {  	s6 =	sadd.s32 $0x1200, s6;
	_ =	strace $0x80000047;
	s10 =	sshrl.u32 s8, $0x1  }
0x9: {  	s7 =	sor.u32 s7, s9;
	s9 =	simm.s32 $0x1;
	s8 =	ssub.s32 s8, s10  }
0xa: {  	v0 =	vimm.s32 $0x0;
	s7 =	smul.u32 $0x6400, s7;
	s10 =	simm.s32 $0x4000;
	s8 =	smax.u32 s8, $0x1  }
.LBB2_1:
0xb: {  	[tilespmem:s3], [sflag:$0x1] =	stream.linear.gather [hbm4b:s4+s3], $0x4000, $0x38;
	[tilespmem:$0x4580] =	vst v63  }
0xc: {  	_ =	swait.ge [sflag:s9], $0x4000  }
0xd: {  	[sflag:s9] =	ssyncset.done $0x0  }
0xe: {  	[sflag:s9] =	ssyncadd.s32 $0xFFFFC000  }
0xf: {  	[tilespmem:s10], [sflag:$0x1] =	stream.linear.gather [hbm4b:s5+s3], $0x180, $0x38;
	[tilespmem:$0x4580] =	vst v63  }
0x10: {  	_ =	swait.ge [sflag:s9], $0x180  }
0x11: {  	[sflag:s9] =	ssyncset.done $0x0  }
0x12: {  	s14 =	simm.s32 $0x0;
	[sflag:s9] =	ssyncadd.s32 $0xFFFFFE80  }
.LBB2_2:
0x13: {  	s15 =	sshll.u32 s14, $0x9  }
0x14: {  	s15 =	sadd.s32 s7, s15  }
0x15: {  	s15 =	sshrl.u32 s15, $0x3  }
0x16: {  	s17 =	simm.s32 $0x0;
	s16 =	sadd.s32 s1, s15  }
0x17: {  	[tilespmem:s11], [sflag:$0x1] =	stream.linear.gather [hbm4b:s16+s17], $0x200, $0x38;
	[tilespmem:$0x4580] =	vst v63  }
0x18: {  	_ =	swait.ge [sflag:s9], $0x200  }
0x19: {  	[sflag:s9] =	ssyncset.done $0x0  }
0x1a: {  	s16 =	simm.s32 $0x0;
	[sflag:s9] =	ssyncadd.s32 $0xFFFFFE00  }
0x1b: {  	v1 =	vld [tilespmem:s16+$0x4180];
	_ =	sdelay $0x4  }
0x1c: {  	v2 =	vshrl.u32 v1, $0x11;
	_ =	sdelay $0x4  }
0x1d: {  	v3 =	vld.idx.msk [tilespmem:v2+s3+$0x0], $0xffff;
	_ =	sdelay $0x4  }
0x1e: {  	v4 =	vadd.s32 $0x1, v3  }
0x1f: {  	v6 =	vadd.s32 $0x2, v3  }
0x20: {  	s17 =	simm.s32 $0x10  }
0x21: {  	v2 =	vld [tilespmem:s17+$0x4180]  }
0x22: {  	v5 =	vld.idx.msk [tilespmem:v3+s10+$0x0], $0xffff  }
0x23: {  	s18 =	simm.s32 $0x80;
	v4 =	vld.idx.msk [tilespmem:v4+s10+$0x0], $0xffff  }
.LBB2_3:
0x24: {  	p0 =	sne.s32 s18, $0x7C0;
	v6 =	vld.idx.msk [tilespmem:v6+s10+$0x0], $0xffff;
	_ =	sdelay $0x3  }
0x25: {  	vm0 =	vlt.f32 v5, v1  }
0x26: {  	v5 =	vshrl.u32 v2, $0x11;
	v7 =	vsel vm0, $0x1, v0;
	vm0 =	vlt.f32 v4, v1  }
0x27: {  	v3 =	vadd.s32 v7, v3;
	v4 =	vsel vm0, $0x1, v0;
	vm0 =	vlt.f32 v6, v1;
	v1 =	vmovc v2  }
0x28: {  	v2 =	vadd.s32 v4, v3;
	v3 =	vsel vm0, $0x1, v0  }
0x29: {  	v2 =	vadd.s32 v3, v2  }
0x2a: {  	[tilespmem:s16+$0x4380] =	vst v2;
	s16 =	smov.u32 s17  }
0x2b: {  	v3 =	vld.idx.msk [tilespmem:v5+s3+$0x0], $0xffff;
	_ =	sdelay $0x5  }
0x2c: {  	v4 =	vadd.s32 $0x1, v3  }
.Ltmp0:
0x2d: {  	v6 =	vadd.s32 $0x2, v3;
	(pc) =	sbr.rel @p0 .LBB2_3-.Ltmp0, $4  }
0x2e: {  	s17 =	sshra.s32 s18, $0x2  }
0x2f: {  	v2 =	vld [tilespmem:s17+$0x4180]  }
0x30: {  	v5 =	vld.idx.msk [tilespmem:v3+s10+$0x0], $0xffff  }
0x31: {  	s18 =	sadd.s32 $0x40, s18;
	v4 =	vld.idx.msk [tilespmem:v4+s10+$0x0], $0xffff  }
0x32: {  	_ =	sdelay $0x3  }
0x33: {  	v6 =	vld.idx.msk [tilespmem:v6+s10+$0x0], $0xffff;
	_ =	sdelay $0x2  }
0x34: {  	vm0 =	vlt.f32 v5, v1  }
0x35: {  	v62 =	vshrl.u32 v2, $0x11;
	v7 =	vsel vm0, $0x1, v0;
	vm11 =	vlt.f32 v4, v1  }
0x36: {  	v3 =	vadd.s32 v7, v3;
	v4 =	vsel vm11, $0x1, v0;
	vm12 =	vlt.f32 v6, v1  }
0x37: {  	v1 =	vadd.s32 v4, v3;
	v3 =	vsel vm12, $0x1, v0  }
0x38: {  	v1 =	vadd.s32 v3, v1  }
0x39: {  	[tilespmem:s16+$0x4380] =	vst v1  }
0x3a: {  	v1 =	vld.idx.msk [tilespmem:v62+s3+$0x0], $0xffff;
	_ =	sdelay $0x4  }
0x3b: {  	v3 =	vadd.s32 $0x1, v1  }
0x3c: {  	v63 =	vadd.s32 $0x2, v1;
	_ =	sdelay $0x2  }
0x3d: {  	v5 =	vld.idx.msk [tilespmem:v1+s10+$0x0], $0xffff  }
0x3e: {  	v3 =	vld.idx.msk [tilespmem:v3+s10+$0x0], $0xffff  }
0x3f: {  	v4 =	vld.idx.msk [tilespmem:v63+s10+$0x0], $0xffff;
	_ =	sdelay $0x2  }
0x40: {  	vm13 =	vlt.f32 v5, v2  }
0x41: {  	v5 =	vsel vm13, $0x1, v0;
	vm14 =	vlt.f32 v3, v2  }
0x42: {  	v1 =	vadd.s32 v5, v1;
	vm15 =	vlt.f32 v4, v2;
	v3 =	vsel vm14, $0x1, v0  }
0x43: {  	s14 =	sadd.s32 $0x1, s14;
	v2 =	vsel vm15, $0x1, v0;
	v1 =	vadd.s32 v3, v1  }
0x44: {  	p0 =	sne.s32 s14, $0x32;
	v1 =	vadd.s32 v2, v1  }
.Ltmp1:
0x45: {  	s15 =	sadd.s32 s6, s15;
	[tilespmem:s17+$0x4380] =	vst v1;
	(pc) =	sbr.rel @p0 .LBB2_2-.Ltmp1, $4  }
0x46: {  	[hbm4b:s15+s3] =	stream.linear.scatter [tilespmem:s12], [sflag:$0x1], $0x200, $0x38;
	[tilespmem:$0x4580] =	vst v63  }
0x47: {  	_ =	swait.ge [sflag:s9], $0x200  }
0x48: {  	[sflag:s9] =	ssyncset.done $0x0  }
0x49: {  	[sflag:s9] =	ssyncadd.s32 $0xFFFFFE00  }
0x4a: {  	s13 =	sadd.s32 $0x1, s13  }
0x4b: {  	p0 =	sne.s32 s13, s8  }
.Ltmp2:
0x4c: {  	_ = 	snop;
	(pc) =	sbr.rel @p0 .LBB2_1-.Ltmp2, $1  }
0x4d: {  	_ =	sdelay $0x3  }
0x4e: {  	_ =	sfence.sel $0x180000  }
0x4f: {  	[bflag:$0x0] =	sbarrier.arrive $0xFFFF  }
0x50: {  	p0 =	sne.s32 s2, $0x0;
	_ =	strace $0x90000047  }
0x51: {  	s0 =	sadd.s32 @!p0 $0x100000, s0;
	[bflag:$0x2] =	sbarrier.arrive $0xFFFF  }
0x52: {  	[sflag:s0] =	ssyncadd.tile.s32 @!p0 $0x1;
	_ =	shalt  }
.Lfunc_end2:
_tile_overlayer_lowered:
.L_overlay_start_2:
0x53: {  	(tag) =	ssettag $0x2  }
0x54: {  	s0 =	rddreg [dreg:$0x0];
	s2 =	stileid.u32  }
0x55: {  	s1 =	rddreg [dreg:$0x1];
	p0 =	sne.s32 s2, $0x0  }
0x56: {  	s3 =	rddreg [dreg:$0x2];
	[bflag:$0x3] =	sbarrier.arrive $0xFFFF;
	s2 =	simm.s32 @!p0 $0x1C01  }
0x57: {  	[timem:s3], [sflag:s2] =	dma.local @!p0 [hbm:s0], s1  }
0x58: {  	s0 =	simm.s32 @!p0 $0x1  }
0x59: {  	_ =	swait.ge @!p0 [sflag:s0], s1  }
0x5a: {  	s1 =	ssub.s32 @!p0 $0x0, s1;
	[sflag:s0] =	ssyncset.done @!p0 $0x0  }
0x5b: {  	[sflag:s0] =	ssyncadd.s32 @!p0 s1  }
0x5c: {  	[bflag:$0x3] =	sbarrier.arrive $0xFFFF  }
0x5d: {  	_ =	shalt  }

</sc_bundles>
